<compile_context>
chip_gen: v7x
topology: tpu7x:2x2x1
jax: 0.10.2.dev20260603
libtpu: 0.0.44.dev20260713+nightly
codegen_flags: <defaults>
</compile_context>

<pallas_src>
import functools

import jax
import jax.numpy as jnp
from jax import lax
from jax.experimental import pallas as pl
from jax.experimental.pallas import tpu as pltpu
from jax.experimental.pallas import tpu_sc as plsc

_NC = 2
_NS = 16
_L = 16

_BS = 16
_H = 32
_W = 32
_NF = 128


def _lookup_body(row_hbm, col_hbm, re_out, ce_out, idxv, rows_v, sem):
    w = lax.axis_index("s") * _NC + lax.axis_index("c")
    seg = (w % 2) * _L
    idxv[pl.ds(0, _L)] = lax.iota(jnp.int32, _L) + seg

    @pl.when(w // 2 == 0)
    def _():
        pltpu.async_copy(col_hbm.at[idxv], rows_v, sem).wait()
        pltpu.sync_copy(rows_v, ce_out.at[pl.ds(seg, _L)])

    @pl.when(w // 2 == 1)
    def _():
        pltpu.async_copy(row_hbm.at[idxv], rows_v, sem).wait()
        pltpu.sync_copy(rows_v, re_out.at[pl.ds(seg, _L)])


_lookup_sc = functools.partial(
    pl.kernel,
    out_type=(
        jax.ShapeDtypeStruct((_H, _NF), jnp.float32),
        jax.ShapeDtypeStruct((_W, _NF), jnp.float32),
    ),
    mesh=plsc.VectorSubcoreMesh(core_axis_name="c", subcore_axis_name="s"),
    scratch_types=[
        pltpu.VMEM((_L,), jnp.int32),
        pltpu.VMEM((_L, _NF), jnp.float32),
        pltpu.SemaphoreType.DMA,
    ],
    compiler_params=pltpu.CompilerParams(needs_layout_passes=False),
)(_lookup_body)


def _bcast_body(ce_ref, re_ref, out_ref):
    out_ref[0, :, :, 0:_NF] = jnp.broadcast_to(
        ce_ref[...][None, :, :], (_H, _W, _NF)
    )
    out_ref[0, :, :, _NF : 2 * _NF] = jnp.broadcast_to(
        re_ref[...][:, None, :], (_H, _W, _NF)
    )


def kernel(mask, row_embed, col_embed):
    bs, h, w = mask.shape
    re_lk, ce_lk = _lookup_sc(row_embed, col_embed)
    out = pl.pallas_call(
        _bcast_body,
        grid=(_BS,),
        in_specs=[
            pl.BlockSpec((_W, _NF), lambda b: (0, 0)),
            pl.BlockSpec((_H, _NF), lambda b: (0, 0)),
        ],
        out_specs=pl.BlockSpec((1, _H, _W, 2 * _NF), lambda b: (b, 0, 0, 0)),
        out_shape=jax.ShapeDtypeStruct((_BS, _H, _W, 2 * _NF), jnp.float32),
    )(ce_lk, re_lk)
    return jnp.transpose(out, (0, 3, 1, 2))

# --- scband reference (transcript-rebuilt; emitter-appended) ---
"""Pipeline reference for scband-learned-positional-encoding-25821343384032 (READ-ONLY COPY).

The authoritative reference and input builder live on the scoring server;
editing this copy changes nothing except your own understanding.
"""

import jax, jax.numpy as jnp
import numpy as np


def setup_inputs(seed: int = 0) -> dict:
    key = jax.random.key(seed)
    k1, k2 = jax.random.split(key)
    mask = jnp.zeros((16, 32, 32), dtype=jnp.bool_)
    # learned parameters: nn.Embedding weights ~ N(0,1)
    row_embed = jax.random.normal(k1, (200, 128), dtype=jnp.float32)
    col_embed = jax.random.normal(k2, (200, 128), dtype=jnp.float32)
    return {"mask": mask, "row_embed": row_embed, "col_embed": col_embed}


def reference(mask, row_embed, col_embed):
    bs, h, w = mask.shape
    x = jnp.arange(w)
    y = jnp.arange(h)
    # embedding lookup -> gather along axis 0
    x_embed = jnp.take(col_embed, x, axis=0)  # [w, num_feats]
    y_embed = jnp.take(row_embed, y, axis=0)  # [h, num_feats]
    nf = x_embed.shape[-1]
    xe = jnp.broadcast_to(x_embed[None, :, :], (h, w, nf))  # repeat over rows
    ye = jnp.broadcast_to(y_embed[:, None, :], (h, w, nf))  # repeat over cols
    pos = jnp.concatenate((xe, ye), axis=-1)  # [h, w, 2*num_feats]
    pos = jnp.transpose(pos, (2, 0, 1))[None, :, :, :]  # [1, 2*nf, h, w]
    pos = jnp.broadcast_to(pos, (bs, 2 * nf, h, w))  # repeat over batch
    return pos

if __name__ == "__main__":
    import jax
    _d = setup_inputs()
    print(jax.jit(kernel)(*tuple(_d.values())))

</pallas_src>

<mosaic_0001>
#map = affine_map<(d0, d1) -> (0, 0)>
module attributes {stable_mosaic.version = 14 : i64} {
  func.func @_lookup_body(%arg0: i32, %arg1: i32, %arg2: memref<200x128xf32, #tpu.memory_space<hbm>>, %arg3: memref<200x128xf32, #tpu.memory_space<hbm>>, %arg4: memref<32x128xf32, #tpu.memory_space<hbm>>, %arg5: memref<32x128xf32, #tpu.memory_space<hbm>>, %arg6: memref<16xi32, #tpu.memory_space<vmem>>, %arg7: memref<16x128xf32, #tpu.memory_space<vmem>>, %arg8: memref<!tpu.dma_semaphore, #tpu.memory_space<semaphore_mem>>) attributes {dimension_semantics = [#tpu.dimension_semantics<core_parallel>, #tpu.dimension_semantics<subcore_parallel>], iteration_bounds = array<i64: 2, 16>, scalar_prefetch = 0 : i64, scratch_operands = 3 : i64, tpu.core_type = #tpu.core_type<sc_vector_subcore>, window_params = [{transform_indices = #map}, {transform_indices = #map}, {transform_indices = #map}, {transform_indices = #map}]} {
    %mul3A = arith.constant 2 : i32
    %mul3A_0 = arith.muli %arg1, %mul3A : i32
    %add3A = arith.addi %mul3A_0, %arg0 : i32
    %jit3A = arith.constant 2 : i32
    %eq3A = arith.constant 0 : i32
    %eq3A_1 = arith.cmpi eq, %jit3A, %eq3A : i32
    %jit3A_2 = arith.constant 1 : i32
    %select_n3A = arith.select %eq3A_1, %jit3A_2, %jit3A : i32
    %rem3A = arith.remsi %add3A, %select_n3A : i32
    %ne3A = arith.constant 0 : i32
    %ne3A_3 = arith.cmpi ne, %rem3A, %ne3A : i32
    %lt3A = arith.constant 0 : i32
    %lt3A_4 = arith.cmpi slt, %rem3A, %lt3A : i32
    %lt3A_5 = arith.constant 0 : i32
    %lt3A_6 = arith.cmpi slt, %select_n3A, %lt3A_5 : i32
    %ne3A_7 = arith.xori %lt3A_4, %lt3A_6 : i1
    %and3A = arith.andi %ne3A_7, %ne3A_3 : i1
    %add3A_8 = arith.addi %rem3A, %select_n3A : i32
    %select_n3A_9 = arith.select %and3A, %add3A_8, %rem3A : i32
    %mul3A_10 = arith.constant 16 : i32
    %mul3A_11 = arith.muli %select_n3A_9, %mul3A_10 : i32
    %iota3A = tpu.iota {dimensions = array<i32: 0>} : vector<16xi32>
    %add3A_12 = vector.broadcast %mul3A_11 : i32 to vector<16xi32>
    %add3A_13 = arith.addi %iota3A, %add3A_12 : vector<16xi32>
    %swap3A = arith.constant 0 : index
    %swap3A_14 = tpu.vector_load %arg6[%swap3A] {strides = array<i32>} : memref<16xi32, #tpu.memory_space<vmem>>, vector<16xi32>,
    tpu.vector_store %arg6[%swap3A], %add3A_13 {strides = array<i32>} : memref<16xi32, #tpu.memory_space<vmem>>, vector<16xi32>,
    %jit3A_15 = arith.constant 2 : i32
    %div3A = arith.divsi %add3A, %jit3A_15 : i32
    %sign3A = arith.constant 0 : i32
    %sign3A_16 = arith.cmpi sgt, %add3A, %sign3A : i32
    %sign3A_17 = arith.extui %sign3A_16 : i1 to i32
    %sign3A_18 = arith.constant 0 : i32
    %sign3A_19 = arith.cmpi slt, %add3A, %sign3A_18 : i32
    %sign3A_20 = arith.extui %sign3A_19 : i1 to i32
    %sign3A_21 = arith.subi %sign3A_17, %sign3A_20 : i32
    %sign3A_22 = arith.constant 0 : i32
    %sign3A_23 = arith.cmpi sgt, %jit3A_15, %sign3A_22 : i32
    %sign3A_24 = arith.extui %sign3A_23 : i1 to i32
    %sign3A_25 = arith.constant 0 : i32
    %sign3A_26 = arith.cmpi slt, %jit3A_15, %sign3A_25 : i32
    %sign3A_27 = arith.extui %sign3A_26 : i1 to i32
    %sign3A_28 = arith.subi %sign3A_24, %sign3A_27 : i32
    %ne3A_29 = arith.cmpi ne, %sign3A_21, %sign3A_28 : i32
    %rem3A_30 = arith.remsi %add3A, %jit3A_15 : i32
    %ne3A_31 = arith.constant 0 : i32
    %ne3A_32 = arith.cmpi ne, %rem3A_30, %ne3A_31 : i32
    %and3A_33 = arith.andi %ne3A_29, %ne3A_32 : i1
    %sub3A = arith.constant 1 : i32
    %sub3A_34 = arith.subi %div3A, %sub3A : i32
    %select_n3A_35 = arith.select %and3A_33, %sub3A_34, %div3A : i32
    %eq3A_36 = arith.constant 0 : i32
    %eq3A_37 = arith.cmpi eq, %select_n3A_35, %eq3A_36 : i32
    %convert_element_type3A = arith.extui %eq3A_37 : i1 to i32
    %cond3A = arith.constant 0 : i32
    %cond3A_38 = arith.cmpi ne, %convert_element_type3A, %cond3A : i32
    scf.if %cond3A_38 {
      %dma_start3A = arith.constant 0 : i32
      %dma_start3A_68 = arith.constant 0 : i32
      %dma_start3A_69 = tpu.memref_slice %arg3[%dma_start3A, %dma_start3A_68] : memref<200x128xf32, #tpu.memory_space<hbm>> -> memref<200x128xf32, #tpu.memory_space<hbm>>
      tpu.enqueue_indirect_dma source(%dma_start3A_69 : memref<200x128xf32, #tpu.memory_space<hbm>>) target(%arg7 : memref<16x128xf32, #tpu.memory_space<vmem>>) offsets(%arg6 : memref<16xi32, #tpu.memory_space<vmem>>) semaphore(%arg8 : memref<!tpu.dma_semaphore, #tpu.memory_space<semaphore_mem>>)
      %dma_wait3A = arith.constant 0 : i32
      %dma_wait3A_70 = arith.constant 0 : i32
      %dma_wait3A_71 = tpu.memref_slice %arg3[%dma_wait3A, %dma_wait3A_70] : memref<200x128xf32, #tpu.memory_space<hbm>> -> memref<200x128xf32, #tpu.memory_space<hbm>>
      tpu.wait_indirect_dma semaphore(%arg8 : memref<!tpu.dma_semaphore, #tpu.memory_space<semaphore_mem>>) src(%dma_wait3A_71 : memref<200x128xf32, #tpu.memory_space<hbm>>) dst(%arg7 : memref<16x128xf32, #tpu.memory_space<vmem>>)
      "tpu.region"() ({
        %run_scoped3A = tpu.sem_alloc : memref<!tpu.dma_semaphore, #tpu.memory_space<semaphore_mem>>
        %dma_start3A_72 = arith.constant 0 : i32
        %dma_start3A_73 = tpu.memref_slice %arg5[%mul3A_11, %dma_start3A_72] : memref<32x128xf32, #tpu.memory_space<hbm>> -> memref<16x128xf32, #tpu.memory_space<hbm>>
        %dma_start3A_74 = arith.constant 0 : i32
        %dma_start3A_75 = tpu.memref_slice %arg5[%mul3A_11, %dma_start3A_74] : memref<32x128xf32, #tpu.memory_space<hbm>> -> memref<16x128xf32, #tpu.memory_space<hbm>>
        tpu.enqueue_dma source(%arg7 : memref<16x128xf32, #tpu.memory_space<vmem>>) target(%dma_start3A_75 : memref<16x128xf32, #tpu.memory_space<hbm>>) target_semaphore(%run_scoped3A : memref<!tpu.dma_semaphore, #tpu.memory_space<semaphore_mem>>)
        %dma_wait3A_76 = arith.constant 0 : i32
        %dma_wait3A_77 = tpu.memref_slice %arg5[%mul3A_11, %dma_wait3A_76] : memref<32x128xf32, #tpu.memory_space<hbm>> -> memref<16x128xf32, #tpu.memory_space<hbm>>
        %dma_wait3A_78 = arith.constant 0 : i32
        %dma_wait3A_79 = tpu.memref_slice %arg5[%mul3A_11, %dma_wait3A_78] : memref<32x128xf32, #tpu.memory_space<hbm>> -> memref<16x128xf32, #tpu.memory_space<hbm>>
        tpu.wait_dma2 semaphore(%run_scoped3A : memref<!tpu.dma_semaphore, #tpu.memory_space<semaphore_mem>>) src(%arg7 : memref<16x128xf32, #tpu.memory_space<vmem>>) dst(%dma_wait3A_79 : memref<16x128xf32, #tpu.memory_space<hbm>>)
        tpu.yield
      }) : () -> ()
    } else {
    }
    %jit3A_39 = arith.constant 2 : i32
    %div3A_40 = arith.divsi %add3A, %jit3A_39 : i32
    %sign3A_41 = arith.constant 0 : i32
    %sign3A_42 = arith.cmpi sgt, %add3A, %sign3A_41 : i32
    %sign3A_43 = arith.extui %sign3A_42 : i1 to i32
    %sign3A_44 = arith.constant 0 : i32
    %sign3A_45 = arith.cmpi slt, %add3A, %sign3A_44 : i32
    %sign3A_46 = arith.extui %sign3A_45 : i1 to i32
    %sign3A_47 = arith.subi %sign3A_43, %sign3A_46 : i32
    %sign3A_48 = arith.constant 0 : i32
    %sign3A_49 = arith.cmpi sgt, %jit3A_39, %sign3A_48 : i32
    %sign3A_50 = arith.extui %sign3A_49 : i1 to i32
    %sign3A_51 = arith.constant 0 : i32
    %sign3A_52 = arith.cmpi slt, %jit3A_39, %sign3A_51 : i32
    %sign3A_53 = arith.extui %sign3A_52 : i1 to i32
    %sign3A_54 = arith.subi %sign3A_50, %sign3A_53 : i32
    %ne3A_55 = arith.cmpi ne, %sign3A_47, %sign3A_54 : i32
    %rem3A_56 = arith.remsi %add3A, %jit3A_39 : i32
    %ne3A_57 = arith.constant 0 : i32
    %ne3A_58 = arith.cmpi ne, %rem3A_56, %ne3A_57 : i32
    %and3A_59 = arith.andi %ne3A_55, %ne3A_58 : i1
    %sub3A_60 = arith.constant 1 : i32
    %sub3A_61 = arith.subi %div3A_40, %sub3A_60 : i32
    %select_n3A_62 = arith.select %and3A_59, %sub3A_61, %div3A_40 : i32
    %eq3A_63 = arith.constant 1 : i32
    %eq3A_64 = arith.cmpi eq, %select_n3A_62, %eq3A_63 : i32
    %convert_element_type3A_65 = arith.extui %eq3A_64 : i1 to i32
    %cond3A_66 = arith.constant 0 : i32
    %cond3A_67 = arith.cmpi ne, %convert_element_type3A_65, %cond3A_66 : i32
    scf.if %cond3A_67 {
      %dma_start3A = arith.constant 0 : i32
      %dma_start3A_68 = arith.constant 0 : i32
      %dma_start3A_69 = tpu.memref_slice %arg2[%dma_start3A, %dma_start3A_68] : memref<200x128xf32, #tpu.memory_space<hbm>> -> memref<200x128xf32, #tpu.memory_space<hbm>>
      tpu.enqueue_indirect_dma source(%dma_start3A_69 : memref<200x128xf32, #tpu.memory_space<hbm>>) target(%arg7 : memref<16x128xf32, #tpu.memory_space<vmem>>) offsets(%arg6 : memref<16xi32, #tpu.memory_space<vmem>>) semaphore(%arg8 : memref<!tpu.dma_semaphore, #tpu.memory_space<semaphore_mem>>)
      %dma_wait3A = arith.constant 0 : i32
      %dma_wait3A_70 = arith.constant 0 : i32
      %dma_wait3A_71 = tpu.memref_slice %arg2[%dma_wait3A, %dma_wait3A_70] : memref<200x128xf32, #tpu.memory_space<hbm>> -> memref<200x128xf32, #tpu.memory_space<hbm>>
      tpu.wait_indirect_dma semaphore(%arg8 : memref<!tpu.dma_semaphore, #tpu.memory_space<semaphore_mem>>) src(%dma_wait3A_71 : memref<200x128xf32, #tpu.memory_space<hbm>>) dst(%arg7 : memref<16x128xf32, #tpu.memory_space<vmem>>)
      "tpu.region"() ({
        %run_scoped3A = tpu.sem_alloc : memref<!tpu.dma_semaphore, #tpu.memory_space<semaphore_mem>>
        %dma_start3A_72 = arith.constant 0 : i32
        %dma_start3A_73 = tpu.memref_slice %arg4[%mul3A_11, %dma_start3A_72] : memref<32x128xf32, #tpu.memory_space<hbm>> -> memref<16x128xf32, #tpu.memory_space<hbm>>
        %dma_start3A_74 = arith.constant 0 : i32
        %dma_start3A_75 = tpu.memref_slice %arg4[%mul3A_11, %dma_start3A_74] : memref<32x128xf32, #tpu.memory_space<hbm>> -> memref<16x128xf32, #tpu.memory_space<hbm>>
        tpu.enqueue_dma source(%arg7 : memref<16x128xf32, #tpu.memory_space<vmem>>) target(%dma_start3A_75 : memref<16x128xf32, #tpu.memory_space<hbm>>) target_semaphore(%run_scoped3A : memref<!tpu.dma_semaphore, #tpu.memory_space<semaphore_mem>>)
        %dma_wait3A_76 = arith.constant 0 : i32
        %dma_wait3A_77 = tpu.memref_slice %arg4[%mul3A_11, %dma_wait3A_76] : memref<32x128xf32, #tpu.memory_space<hbm>> -> memref<16x128xf32, #tpu.memory_space<hbm>>
        %dma_wait3A_78 = arith.constant 0 : i32
        %dma_wait3A_79 = tpu.memref_slice %arg4[%mul3A_11, %dma_wait3A_78] : memref<32x128xf32, #tpu.memory_space<hbm>> -> memref<16x128xf32, #tpu.memory_space<hbm>>
        tpu.wait_dma2 semaphore(%run_scoped3A : memref<!tpu.dma_semaphore, #tpu.memory_space<semaphore_mem>>) src(%arg7 : memref<16x128xf32, #tpu.memory_space<vmem>>) dst(%dma_wait3A_79 : memref<16x128xf32, #tpu.memory_space<hbm>>)
        tpu.yield
      }) : () -> ()
    } else {
    }
    return
  }
}

module attributes {stable_mosaic.version = 14 : i64} {
  func.func @_bcast_body(%arg0: i32, %arg1: memref<32x128xf32, #tpu.memory_space<vmem>>, %arg2: memref<32x128xf32, #tpu.memory_space<vmem>>, %arg3: memref<1x32x32x256xf32, #tpu.memory_space<vmem>>) attributes {dimension_semantics = [#tpu.dimension_semantics<arbitrary>], iteration_bounds = array<i64: 16>, scalar_prefetch = 0 : i64, scratch_operands = 0 : i64, tpu.core_type = #tpu.core_type<tc>, window_params = [{pipeline_mode = #tpu.pipeline_mode<synchronous>, transform_indices = @transform_0, window_bounds = array<i64: 32, 128>}, {pipeline_mode = #tpu.pipeline_mode<synchronous>, transform_indices = @transform_1, window_bounds = array<i64: 32, 128>}, {transform_indices = @transform_2, window_bounds = array<i64: 1, 32, 32, 256>}]} {
    %get3A = arith.constant 0 : index
    %get3A_0 = arith.constant 0 : index
    %get3A_1 = vector.load %arg1[%get3A, %get3A_0] : memref<32x128xf32, #tpu.memory_space<vmem>>, vector<32x128xf32>
    %broadcast_in_dim3A = vector.shape_cast %get3A_1 : vector<32x128xf32> to vector<1x32x128xf32>
    %broadcast_in_dim3A_2 = vector.shape_cast %broadcast_in_dim3A : vector<1x32x128xf32> to vector<1x32x128xf32>
    %broadcast_in_dim3A_3 = vector.broadcast %broadcast_in_dim3A_2 : vector<1x32x128xf32> to vector<32x32x128xf32>
    %swap3A = arith.constant 0 : index
    %swap3A_4 = arith.constant 0 : index
    %swap3A_5 = arith.constant 0 : index
    %swap3A_6 = arith.constant 0 : index
    %swap3A_7 = vector.load %arg3[%swap3A, %swap3A_4, %swap3A_5, %swap3A_6] : memref<1x32x32x256xf32, #tpu.memory_space<vmem>>, vector<1x32x32x128xf32>
    %swap3A_8 = vector.shape_cast %swap3A_7 : vector<1x32x32x128xf32> to vector<32x32x128xf32>
    %swap3A_9 = vector.shape_cast %broadcast_in_dim3A_3 : vector<32x32x128xf32> to vector<1x32x32x128xf32>
    tpu.vector_store %arg3[%swap3A, %swap3A_4, %swap3A_5, %swap3A_6], %swap3A_9 {strides = array<i32>} : memref<1x32x32x256xf32, #tpu.memory_space<vmem>>, vector<1x32x32x128xf32>,
    %get3A_10 = arith.constant 0 : index
    %get3A_11 = arith.constant 0 : index
    %get3A_12 = vector.load %arg2[%get3A_10, %get3A_11] : memref<32x128xf32, #tpu.memory_space<vmem>>, vector<32x128xf32>
    %broadcast_in_dim3A_13 = vector.shape_cast %get3A_12 : vector<32x128xf32> to vector<32x1x128xf32>
    %broadcast_in_dim3A_14 = vector.shape_cast %broadcast_in_dim3A_13 : vector<32x1x128xf32> to vector<32x1x128xf32>
    %broadcast_in_dim3A_15 = vector.broadcast %broadcast_in_dim3A_14 : vector<32x1x128xf32> to vector<32x32x128xf32>
    %swap3A_16 = arith.constant 0 : index
    %swap3A_17 = arith.constant 0 : index
    %swap3A_18 = arith.constant 0 : index
    %swap3A_19 = arith.constant 128 : index
    %swap3A_20 = vector.load %arg3[%swap3A_16, %swap3A_17, %swap3A_18, %swap3A_19] : memref<1x32x32x256xf32, #tpu.memory_space<vmem>>, vector<1x32x32x128xf32>
    %swap3A_21 = vector.shape_cast %swap3A_20 : vector<1x32x32x128xf32> to vector<32x32x128xf32>
    %swap3A_22 = vector.shape_cast %broadcast_in_dim3A_15 : vector<32x32x128xf32> to vector<1x32x32x128xf32>
    tpu.vector_store %arg3[%swap3A_16, %swap3A_17, %swap3A_18, %swap3A_19], %swap3A_22 {strides = array<i32>} : memref<1x32x32x256xf32, #tpu.memory_space<vmem>>, vector<1x32x32x128xf32>,
    return
  }
  func.func @transform_0(%arg0: i32) -> (i32, i32) {
    %c0_i32 = arith.constant 0 : i32
    %c0_i32_0 = arith.constant 0 : i32
    %c0_i32_1 = arith.constant 0 : i32
    return %c0_i32, %c0_i32_0 : i32, i32
  }
  func.func @transform_1(%arg0: i32) -> (i32, i32) {
    %c0_i32 = arith.constant 0 : i32
    %c0_i32_0 = arith.constant 0 : i32
    %c0_i32_1 = arith.constant 0 : i32
    return %c0_i32, %c0_i32_0 : i32, i32
  }
  func.func @transform_2(%arg0: i32) -> (i32, i32, i32, i32) {
    %c0_i32 = arith.constant 0 : i32
    %c0_i32_0 = arith.constant 0 : i32
    %c0_i32_1 = arith.constant 0 : i32
    %c0_i32_2 = arith.constant 0 : i32
    return %arg0, %c0_i32, %c0_i32_0, %c0_i32_1 : i32, i32, i32, i32
  }
}

</mosaic_0001>

<sc_bundles>
// kernel: kernel.4.cloned.1.call-start
scs
__scs_entry_jumppad:
0x0: {  	(pc) =	sbr.rel $0x88, $3  }
0x1: {  	(tag) =	ssettag $0x0;
	lr =	simm.s32 $0x1  }
0x2: {  	[smem:$0x3F9F] =	sst lr;
	_ =	strace $0xD0000000  }
0x3: {  	_ = 	snop  }
0x4: {  	_ = 	snop  }
0x5: {  	_ = 	snop  }
0x6: {  	_ = 	snop  }
0x7: {  	_ = 	snop  }
__scs_overlays_trampoline_lowered:
0x8: {  	[smem:$0x3FAE] =	sst s0  }
0x9: {  	[smem:$0x3FAF] =	sst s1  }
0xa: {  	[smem:$0x3FB0] =	sst s2  }
0xb: {  	[smem:$0x3FB1] =	sst s3  }
0xc: {  	[smem:$0x3FB2] =	sst s4  }
0xd: {  	[smem:$0x3FB3] =	sst s5  }
0xe: {  	[smem:$0x3FB4] =	sst s6  }
0xf: {  	[smem:$0x3FB5] =	sst s7  }
0x10: {  	[smem:$0x3FB6] =	sst s8  }
0x11: {  	[smem:$0x3FB7] =	sst s9;
	s0 =	simm.s32 @!p0 $0x0  }
0x12: {  	s1 =	sld [smem:$0x3F9D];
	s0 =	simm.s32 @p0 $0x1  }
0x13: {  	[smem:$0x3FB8] =	sst s0;
	s0 =	simm.s32 @!p1 $0x0  }
0x14: {  	s2 =	sld [smem:$0x3F9C];
	s0 =	simm.s32 @p1 $0x1  }
0x15: {  	[smem:$0x3FB9] =	sst s0;
	s0 =	simm.s32 @!p2 $0x0  }
0x16: {  	s3 =	sld [smem:$0x3FDB];
	s0 =	simm.s32 @p2 $0x1  }
0x17: {  	s4 =	simm.s32 $0x1BF5;
	[smem:$0x3FBB] =	sst s0  }
0x18: {  	s0 =	sld [smem:$0x3F9E];
	_ =	swait.ge [sflag:s4], $0x0  }
0x19: {  	s7 =	sld [smem:$0x3F9F]  }
0x1a: {  	s8 =	sadd.s32 $0xFFFFE003, lr  }
0x1b: {  	s9 =	sadd.s32 $0xFFFFFEF7, lr;
	s5 =	simm.s32 $0xFFFFFFFF;
	p2 =	slt.u32 s8, $0xFFFFF086  }
0x1c: {  	p1 =	slt.u32 s9, $0xF7A;
	s5 =	simm.s32 @!p2 $0x0  }
0x1d: {  	s5 =	simm.s32 @p1 $0x1;
	p0 =	seq.s32 s7, s2  }
0x1e: {  	s7 =	smul.u32 @!p0 $0xF7A, s2;
	p2 =	seq.s32 @!p0 s5, $0x0  }
0x1f: {  	s9 =	smul.u32 $0xF7A, s1;
	s8 =	simm.s32 @!p0 $0x1BF5;
	p2 =	por !p2, p0  }
0x20: {  	[sflag:s8] =	ssyncset.s32 @!p0 $0xFFFFF086;
	s6 =	sadd.s32 @!p0 s3, s7;
	s7 =	simm.s32 @!p0 $0x108  }
0x21: {  	s3 =	sadd.s32 s3, s9;
	s6 =	sadd.s32 @!p0 $0x88, s6;
	s7 =	simm.s32 @p2 $0x1082  }
0x22: {  	[simem:s7], [sflag:s8] =	dma.local @!p0 [hbm:s6], $0xF7A  }
0x23: {  	s9 =	sor.u32 $0xD0000000, s2;
	s6 =	simm.s32 $0x108;
	_ =	swait.ge @!p0 [sflag:s8], $0x0  }
0x24: {  	s3 =	sadd.s32 $0x88, s3;
	s6 =	simm.s32 @!p1 $0x1082;
	[sflag:s4] =	ssyncset.s32 $0xFFFFF086  }
0x25: {  	[simem:s6], [sflag:s4] =	dma.local [hbm:s3], $0xF7A  }
0x26: {  	[smem:$0x3F9F] =	sst s1;
	(tag) =	ssettag s2;
	_ =	strace s9  }
0x27: {  	s1 =	sld [smem:$0x3FAF]  }
0x28: {  	s2 =	sld [smem:$0x3FB0]  }
0x29: {  	s4 =	sld [smem:$0x3FB2]  }
0x2a: {  	p0 =	seq.s32 s5, $0x0;
	s5 =	sld [smem:$0x3FB3]  }
0x2b: {  	s6 =	sld [smem:$0x3FB4]  }
0x2c: {  	s7 =	sld [smem:$0x3FB5]  }
0x2d: {  	s3 =	simm.s32 $0x108;
	s8 =	sld [smem:$0x3FB6]  }
0x2e: {  	s3 =	simm.s32 @!p0 $0x1082;
	s9 =	sld [smem:$0x3FB7]  }
0x2f: {  	lr =	sadd.s32 s0, s3;
	s0 =	sld [smem:$0x3FAE]  }
0x30: {  	s3 =	sld [smem:$0x3FB1]  }
0x31: {  	[smem:$0x3FBA] =	sst s10  }
0x32: {  	s10 =	sld [smem:$0x3FB8];
	_ =	sdelay $0x3  }
0x33: {  	p0 =	seq.s32 s10, $0x1;
	s10 =	sld [smem:$0x3FBA];
	_ =	sdelay $0x3  }
0x34: {  	[smem:$0x3FBA] =	sst s10  }
0x35: {  	s10 =	sld [smem:$0x3FB9];
	_ =	sdelay $0x3  }
0x36: {  	p1 =	seq.s32 s10, $0x1;
	s10 =	sld [smem:$0x3FBA];
	_ =	sdelay $0x3  }
0x37: {  	[smem:$0x3FBA] =	sst s10  }
0x38: {  	s10 =	sld [smem:$0x3FBB]  }
0x39: {  	_ = 	snop;
	(pc) =	sbr.ind lr, $3  }
0x3a: {  	_ = 	snop  }
0x3b: {  	_ = 	snop  }
0x3c: {  	p2 =	seq.s32 s10, $0x1;
	s10 =	sld [smem:$0x3FBA]  }
0x3d: {  	_ =	shalt  }
0x3e: {  	_ =	shalt  }
0x3f: {  	_ =	shalt  }
0x40: {  	_ =	shalt  }
0x41: {  	_ =	shalt  }
0x42: {  	_ =	shalt  }
0x43: {  	_ =	shalt  }
0x44: {  	_ =	shalt  }
0x45: {  	_ =	shalt  }
0x46: {  	_ =	shalt  }
0x47: {  	_ =	shalt  }
0x48: {  	_ =	shalt  }
0x49: {  	_ =	shalt  }
0x4a: {  	_ =	shalt  }
0x4b: {  	_ =	shalt  }
0x4c: {  	_ =	shalt  }
0x4d: {  	_ =	shalt  }
0x4e: {  	_ =	shalt  }
0x4f: {  	_ =	shalt  }
0x50: {  	_ =	shalt  }
0x51: {  	_ =	shalt  }
0x52: {  	_ =	shalt  }
0x53: {  	_ =	shalt  }
0x54: {  	_ =	shalt  }
0x55: {  	_ =	shalt  }
0x56: {  	_ =	shalt  }
0x57: {  	_ =	shalt  }
0x58: {  	_ =	shalt  }
0x59: {  	_ =	shalt  }
0x5a: {  	_ =	shalt  }
0x5b: {  	_ =	shalt  }
0x5c: {  	_ =	shalt  }
0x5d: {  	_ =	shalt  }
0x5e: {  	_ =	shalt  }
0x5f: {  	_ =	shalt  }
0x60: {  	_ =	shalt  }
0x61: {  	_ =	shalt  }
0x62: {  	_ =	shalt  }
0x63: {  	_ =	shalt  }
0x64: {  	_ =	shalt  }
0x65: {  	_ =	shalt  }
0x66: {  	_ =	shalt  }
0x67: {  	_ =	shalt  }
0x68: {  	_ =	shalt  }
0x69: {  	_ =	shalt  }
0x6a: {  	_ =	shalt  }
0x6b: {  	_ =	shalt  }
0x6c: {  	_ =	shalt  }
0x6d: {  	_ =	shalt  }
0x6e: {  	_ =	shalt  }
0x6f: {  	_ =	shalt  }
0x70: {  	_ =	shalt  }
0x71: {  	_ =	shalt  }
0x72: {  	_ =	shalt  }
0x73: {  	_ =	shalt  }
0x74: {  	_ =	shalt  }
0x75: {  	_ =	shalt  }
0x76: {  	_ =	shalt  }
0x77: {  	_ =	shalt  }
0x78: {  	_ =	shalt  }
0x79: {  	_ =	shalt  }
0x7a: {  	_ =	shalt  }
0x7b: {  	_ =	shalt  }
0x7c: {  	_ =	shalt  }
0x7d: {  	_ =	shalt  }
0x7e: {  	_ =	shalt  }
0x7f: {  	_ =	shalt  }
0x80: {  	_ =	shalt  }
0x81: {  	_ =	shalt  }
0x82: {  	_ =	shalt  }
0x83: {  	_ =	shalt  }
0x84: {  	_ =	shalt  }
0x85: {  	_ =	shalt  }
0x86: {  	_ =	shalt  }
0x87: {  	_ =	shalt  }
.Lfunc_end0:
.L_simem_size_0:
called_computation_lowered:
.L_overlay_start_0:
0x88: {  	s2 =	sld [smem:$0x3FD9]  }
0x89: {  	s3 =	sld [smem:$0x3FFE];
	_ =	sdelay $0x1  }
0x8a: {  	s1 =	srdreg.scid  }
0x8b: {  	s0 =	sand.u32 $0x1, s1  }
0x8c: {  	s17 =	sshll.u32 s0, $0xA;
	s2 =	sadd.s32 s3, s2  }
0x8d: {  	s2 =	sadd.s32 s2, s17  }
0x8e: {  	[smem:$0x3FC6] =	sst s2  }
0x8f: {  	_ = 	snop  }
0x90: {  	s2 =	sld [smem:$0x3FC9]  }
0x91: {  	s18 =	sld [smem:$0x3FC8]  }
0x92: {  	s4 =	sld [smem:$0x3FD0];
	(tm) =	ssettm $0x1  }
0x93: {  	s5 =	sld [smem:$0x3FFB];
	_ =	sdelay $0x3  }
0x94: {  	_ =	strace s5  }
0x95: {  	s5 =	sld [smem:$0x3FFC];
	_ =	sdelay $0x3  }
0x96: {  	_ =	strace s5  }
0x97: {  	s5 =	sld [smem:$0x3FFD];
	_ =	sdelay $0x3  }
0x98: {  	_ =	strace s5  }
0x99: {  	_ =	strace $0x8FFFFFFF  }
0x9a: {  	s19 =	sld [smem:$0x3FDB];
	_ =	sdelay $0x1  }
0x9b: {  	s6 =	simm.s32 $_scs_section_size  }
0x9c: {  	s7 =	simm.s32 $_size__tile_overlayer_lowered;
	s8 =	simm.s32 $_tile_overlayer_lowered  }
0x9d: {  	s22 =	simm.s32 $0x1BFF;
	s21 =	sshll.u32 s8, $0x1;
	s5 =	sadd.s32 s6, s19  }
0x9e: {  	s9 =	simm.s32 $0x0;
	s20 =	sshll.u32 s7, $0x1;
	s7 =	sadd.s32 s21, s5  }
0x9f: {  	[timem:s9], [sflag:s22] =	dma.local [hbm:s7], s20  }
0xa0: {  	_ =	swait.ge [sflag:s22], s20  }
0xa1: {  	s6 =	ssub.s32 $0x0, s20;
	[sflag:s22] =	ssyncset.done $0x0  }
0xa2: {  	[sflag:s22] =	ssyncadd.s32 s6;
	_ =	sdelay $0x1  }
0xa3: {  	s23 =	simm.s32 $0x1B8B  }
0xa4: {  	_ =	swait.ge [sflag:s23], $0x1  }
0xa5: {  	[sflag:s23] =	ssyncset.done $0x0  }
0xa6: {  	s25 =	simm.s32 $0x1B8E;
	s24 =	sld [smem:$0x3FFE];
	[sflag:s23] =	ssyncadd.s32 $0xFFFFFFFF  }
0xa7: {  	s26 =	simm.s32 $execute0_lowered;
	[smem:$0x3FD2] =	sst s25  }
0xa8: {  	s7 =	sshll.u32 s26, $0x1;
	_ =	strace $0x80000046;
	[dreg:$0x1] =	wrdreg $0xFFFFFFFF  }
0xa9: {  	s28 =	simm.s32 $_size_execute0_lowered;
	s5 =	sadd.s32 s5, s7;
	[dreg:$0x0] =	wrdreg $0x0  }
0xaa: {  	s7 =	sshll.u32 s28, $0x1;
	[dreg:$0x2] =	wrdreg s5  }
0xab: {  	[dreg:$0x3] =	wrdreg s7  }
0xac: {  	[dreg:$0x4] =	wrdreg $0xC0  }
0xad: {  	_ =	task [dreg:s9], $0x5FFFF  }
0xae: {  	[dreg:$0x1] =	wrdreg $0xFFFFFFFF  }
0xaf: {  	[dreg:$0x0] =	wrdreg $0x60  }
0xb0: {  	[dreg:$0x2] =	wrdreg s2  }
0xb1: {  	[dreg:$0x3] =	wrdreg s18  }
0xb2: {  	[dreg:$0x4] =	wrdreg s4  }
0xb3: {  	[dreg:$0x5] =	wrdreg s24  }
0xb4: {  	[dreg:$0x6] =	wrdreg $0x9  }
0xb5: {  	_ =	task.clear_ibuf [dreg:s9], $0x7FFFF;
	_ =	strace $0x90000046  }
0xb6: {  	s29 =	simm.s32 $0x9;
	_ =	strace $0x80000048  }
0xb7: {  	_ =	swait.ge [sflag:s29], $0x1  }
0xb8: {  	[sflag:s29] =	ssyncadd.s32 $0xFFFFFFFF  }
0xb9: {  	_ =	strace $0x90000048  }
0xba: {  	_ =	sfence  }
0xbb: {  	s30 =	sld [smem:$0x0];
	_ =	sdelay $0x2  }
0xbc: {  	s31 =	sshll.u32 s1, $0xD;
	s1 =	sshrl.u32 s1, $0x2  }
0xbd: {  	s3 =	sand.u32 $0x4000, s31;
	s1 =	sadd.s32 s1, s30  }
0xbe: {  	s0 =	sor.u32 s3, s0;
	s1 =	sshll.u32 s1, $0x11  }
0xbf: {  	s0 =	sor.u32 s1, s0  }
0xc0: {  	s0 =	sadd.s32 $0x8F2B, s0  }
0xc1: {  	[sflag:s0] =	ssyncadd.remote.s32 $0x1  }
0xc2: {  	_ =	sfence.sel $0xFFFF  }
0xc3: {  	[dreg:$0x0] =	wrdreg $0xFFFFFFFF;
	(pc) =	sbr.abs _section_cstart, $3  }
0xc4: {  	[dreg:$0x1] =	wrdreg $0xFFFFFFFF  }
0xc5: {  	_ =	task.clear_ibuf [dreg:s9], $0x2FFFF;
	_ =	strace $0x9FFFFFFF  }
0xc6: {  	(tm) =	ssettm $0x7FFFFFFF  }
0xc7: {  	_ =	shalt  }
tec
execute0_lowered:
.L_overlay_start_1:
0x0: {  	(tag) =	ssettag $0x1  }
0x1: {  	s1 =	rddreg [dreg:$0x0]  }
0x2: {  	s2 =	rddreg [dreg:$0x1]  }
0x3: {  	s3 =	rddreg [dreg:$0x2]  }
0x4: {  	s6 =	rddreg [dreg:$0x3]  }
0x5: {  	s0 =	rddreg [dreg:$0x4];
	s7 =	srdreg.scid  }
0x6: {  	s5 =	simm.s32 $0x0;
	s4 =	stileid.u32;
	s10 =	simm.s32 $0x1  }
0x7: {  	s12 =	simm.s32 $0x2;
	s8 =	sand.u32 $0x1, s7;
	[smem:$0x7FF] =	sst s5  }
0x8: {  	s6 =	sadd.s32 $0xC00, s6;
	s7 =	sor.u32 s8, s4;
	_ =	strace $0x80000047  }
0x9: {  	p0 =	seq.s32 s8, $0x1;
	s31 =	ssub.s32 $0x2, s8;
	p1 =	seq.s32 s7, $0x0  }
.Ltmp0:
0xa: {  	s11 =	sshll.u32 s8, $0x4;
	p0 =	por !p1, !p0;
	(pc) =	sbr.rel .LBB2_1-.Ltmp0, $4  }
0xb: {  	s8 =	sshll.u32 s8, $0x8;
	s9 =	sshrl.u32 s31, $0x1;
	p0 =	por !p0, !p0  }
0xc: {  	v0 =	vlaneseq.u32;
	s7 =	simm.s32 $0x1;
	s9 =	ssub.s32 s31, s9;
	s10 =	simm.s32 @!p0 $0x0  }
0xd: {  	v0 =	vor.u32 s11, v0;
	s11 =	simm.s32 $0x80;
	s9 =	smax.u32 s9, $0x1;
	s13 =	ssub.s32 s4, s10  }
0xe: {  	s10 =	simm.s32 $0x10;
	p0 =	seq.s32 s13, $0x0;
	p1 =	sne.s32 s13, $0x1  }
.LBB2_4:
0xf: {  	[tilespmem:s11], [sflag:$0x1] =	stream.indirect.gather [hbm4b:s14+s10], $0x80, s5, s10, $0xb8;
	[tilespmem:$0x880] =	vst v63  }
0x10: {  	_ =	swait.ge [sflag:s7], $0x800  }
0x11: {  	[sflag:s7] =	ssyncset.done $0x0  }
0x12: {  	s13 =	sadd.s32 s13, s8;
	[sflag:s7] =	ssyncadd.s32 $0xFFFFF800  }
0x13: {  	[hbm4b:s13+s5] =	stream.linear.scatter [tilespmem:s11], [sflag:$0x2], $0x800, $0x38;
	[tilespmem:$0x880] =	vst v63  }
0x14: {  	_ =	swait.ge [sflag:s12], $0x800  }
0x15: {  	[sflag:s12] =	ssyncset.done $0x0  }
0x16: {  	[sflag:s12] =	ssyncadd.s32 $0xFFFFF800  }
.LBB2_5:
0x17: {  	s9 =	sadd.s32 $0xFFFFFFFF, s9  }
0x18: {  	p2 =	sne.s32 s9, $0x0  }
.Ltmp1:
0x19: {  	_ = 	snop;
	(pc) =	sbr.rel @!p2 .LBB2_6-.Ltmp1, $1  }
0x1a: {  	_ =	sdelay $0x3  }
.LBB2_1:
.Ltmp2:
0x1b: {  	(pc) =	sbr.rel @p0 .LBB2_4-.Ltmp2, $2  }
0x1c: {  	_ =	sdelay $0x2  }
0x1d: {  	[tilespmem:$0x0] =	vst v0;
	s14 =	smov.u32 s2;
	s13 =	smov.u32 s6  }
.Ltmp3:
0x1e: {  	(pc) =	sbr.rel @p1 .LBB2_5-.Ltmp3, $1  }
0x1f: {  	_ =	sdelay $0x3  }
.Ltmp4:
0x20: {  	(pc) =	sbr.rel .LBB2_4-.Ltmp4, $2  }
0x21: {  	_ =	sdelay $0x2  }
0x22: {  	s14 =	smov.u32 s1;
	s13 =	smov.u32 s3  }
.LBB2_6:
0x23: {  	_ =	sfence.sel $0x180000  }
0x24: {  	[bflag:$0x0] =	sbarrier.arrive $0xFFFF  }
0x25: {  	p0 =	sne.s32 s4, $0x0;
	_ =	strace $0x90000047  }
0x26: {  	s0 =	sadd.s32 @!p0 $0x100000, s0;
	[bflag:$0x2] =	sbarrier.arrive $0xFFFF  }
0x27: {  	[sflag:s0] =	ssyncadd.tile.s32 @!p0 $0x1;
	_ =	shalt  }
.Lfunc_end2:
_tile_overlayer_lowered:
.L_overlay_start_2:
0x28: {  	(tag) =	ssettag $0x2  }
0x29: {  	s0 =	rddreg [dreg:$0x0];
	s2 =	stileid.u32  }
0x2a: {  	s1 =	rddreg [dreg:$0x1];
	p0 =	sne.s32 s2, $0x0  }
0x2b: {  	s3 =	rddreg [dreg:$0x2];
	[bflag:$0x3] =	sbarrier.arrive $0xFFFF;
	s2 =	simm.s32 @!p0 $0x1C02  }
0x2c: {  	[timem:s3], [sflag:s2] =	dma.local @!p0 [hbm:s0], s1  }
0x2d: {  	s0 =	simm.s32 @!p0 $0x2  }
0x2e: {  	_ =	swait.ge @!p0 [sflag:s0], s1  }
0x2f: {  	s1 =	ssub.s32 @!p0 $0x0, s1;
	[sflag:s0] =	ssyncset.done @!p0 $0x0  }
0x30: {  	[sflag:s0] =	ssyncadd.s32 @!p0 s1  }
0x31: {  	[bflag:$0x3] =	sbarrier.arrive $0xFFFF  }
0x32: {  	_ =	shalt  }

</sc_bundles>
